<compile_context>
chip_gen: v7x
topology: tpu7x:2x2x1
jax: 0.10.2.dev20260603
libtpu: 0.0.44.dev20260713+nightly
codegen_flags: <defaults>
</compile_context>

<pallas_src>
import functools

import jax
import jax.numpy as jnp
from jax import lax
from jax.experimental import pallas as pl
from jax.experimental.pallas import tpu as pltpu
from jax.experimental.pallas import tpu_sc as plsc

BATCH = 64
STATE_DIM = 64
ACTION_DIM = 32
NUM_SKILLS = 100000
CHUNK = 8

BK = 4000
NUM_BLOCKS = NUM_SKILLS // BK

S_CHUNK = 4000
N_CHUNKS = NUM_SKILLS // S_CHUNK
ROWS_PER_GATHER_TILE = 8
VDIM = CHUNK * ACTION_DIM


def _sim_argmax_kernel(state_ref, w_ref, b_ref, gamma_ref, beta_ref,
                       keys_ref, idx_out_ref, sim_out_ref,
                       qn_scr, max_scr, arg_scr):
    j = pl.program_id(0)

    @pl.when(j == 0)
    def _encode():
        q = lax.dot_general(
            state_ref[...].astype(jnp.bfloat16),
            w_ref[...].astype(jnp.bfloat16),
            (((1,), (1,)), ((), ())),
            preferred_element_type=jnp.float32) + b_ref[...]
        mu = jnp.mean(q, axis=1, keepdims=True)
        var = jnp.mean((q - mu) * (q - mu), axis=1, keepdims=True)
        q = (q - mu) / jnp.sqrt(var + 1e-5) * gamma_ref[...] + beta_ref[...]
        qnorm = jnp.sqrt(jnp.sum(q * q, axis=1, keepdims=True))
        qn_scr[...] = (q / jnp.maximum(qnorm, 1e-8)).astype(jnp.bfloat16)
        max_scr[...] = jnp.full((1, BATCH), -jnp.inf, jnp.float32)
        arg_scr[...] = jnp.zeros((1, BATCH), jnp.int32)

    k = keys_ref[...]
    knorm = jnp.sqrt(jnp.sum(k * k, axis=1, keepdims=True))
    kn = (k / jnp.maximum(knorm, 1e-8)).astype(jnp.bfloat16)
    sim = lax.dot_general(
        kn, qn_scr[...], (((1,), (1,)), ((), ())),
        preferred_element_type=jnp.float32)

    bmax = jnp.max(sim, axis=0, keepdims=True)
    iota = lax.broadcasted_iota(jnp.int32, (BK, BATCH), 0)
    bidx = jnp.min(jnp.where(sim == bmax, iota, BK), axis=0,
                   keepdims=True) + j * BK
    better = bmax > max_scr[...]
    max_scr[...] = jnp.where(better, bmax, max_scr[...])
    arg_scr[...] = jnp.where(better, bidx, arg_scr[...])

    @pl.when(j == NUM_BLOCKS - 1)
    def _emit():
        sim_out_ref[...] = max_scr[...]
        idx_out_ref[...] = arg_scr[...]


def _retrieve_kernel(values_ref, idx_ref, strengths_ref,
                     retr_out_ref, str_out_ref,
                     idx_row_v, rows_v, idx16_v, vals_v, upd_v, sbuf_v, sem):
    c = lax.axis_index("c")
    s = lax.axis_index("s")

    @pl.when((c == 1) & (s < ROWS_PER_GATHER_TILE))
    def _gather():
        base = pl.multiple_of(s * ROWS_PER_GATHER_TILE, 8)
        pltpu.sync_copy(idx_ref.at[pl.ds(base, ROWS_PER_GATHER_TILE)],
                        idx_row_v)
        pltpu.async_copy(values_ref.at[idx_row_v], rows_v, sem).wait()
        pltpu.sync_copy(rows_v, retr_out_ref.at[pl.ds(base,
                                                      ROWS_PER_GATHER_TILE)])

    def _do_chunk(chunk_id):
        base = pl.multiple_of(chunk_id * S_CHUNK, 8)
        pltpu.sync_copy(strengths_ref.at[pl.ds(base, S_CHUNK)], sbuf_v)
        pltpu.sync_copy(sbuf_v, str_out_ref.at[pl.ds(base, S_CHUNK)])

    @pl.when(c == 0)
    def _copy_lo():
        _do_chunk(s)

    @pl.when((c == 0) & (s < N_CHUNKS - 16))
    def _copy_hi():
        _do_chunk(s + 16)

    plsc.subcore_barrier()

    @pl.when((c == 0) & (s < BATCH // 16))
    def _reinforce():
        base = pl.multiple_of(s * 16, 8)
        pltpu.sync_copy(idx_ref.at[pl.ds(base, 16)], idx16_v)
        pltpu.async_copy(strengths_ref.at[idx16_v], vals_v, sem).wait()
        upd_v[...] = jnp.minimum(vals_v[...] * jnp.float32(1.01),
                                 jnp.float32(10.0))
        pltpu.async_copy(upd_v, str_out_ref.at[idx16_v], sem).wait()


@jax.jit
def kernel(state, W, b, gamma, beta, skill_keys, skill_values,
           skill_strengths):
    row2d = lambda v: v.reshape(1, STATE_DIM)
    idx2d, sim2d = pl.pallas_call(
        _sim_argmax_kernel,
        grid=(NUM_BLOCKS,),
        in_specs=[
            pl.BlockSpec((BATCH, STATE_DIM), lambda j: (0, 0)),
            pl.BlockSpec((STATE_DIM, STATE_DIM), lambda j: (0, 0)),
            pl.BlockSpec((1, STATE_DIM), lambda j: (0, 0)),
            pl.BlockSpec((1, STATE_DIM), lambda j: (0, 0)),
            pl.BlockSpec((1, STATE_DIM), lambda j: (0, 0)),
            pl.BlockSpec((BK, STATE_DIM), lambda j: (j, 0)),
        ],
        out_specs=[
            pl.BlockSpec((1, BATCH), lambda j: (0, 0)),
            pl.BlockSpec((1, BATCH), lambda j: (0, 0)),
        ],
        out_shape=[
            jax.ShapeDtypeStruct((1, BATCH), jnp.int32),
            jax.ShapeDtypeStruct((1, BATCH), jnp.float32),
        ],
        scratch_shapes=[
            pltpu.VMEM((BATCH, STATE_DIM), jnp.bfloat16),
            pltpu.VMEM((1, BATCH), jnp.float32),
            pltpu.VMEM((1, BATCH), jnp.int32),
        ],
        compiler_params=pltpu.CompilerParams(
            dimension_semantics=("arbitrary",)),
    )(state, W, row2d(b), row2d(gamma), row2d(beta), skill_keys)

    best_idx = idx2d.reshape(BATCH)
    best_sim = sim2d.reshape(BATCH)

    values2d = skill_values.reshape(NUM_SKILLS, VDIM)
    sc_fn = pl.kernel(
        _retrieve_kernel,
        out_type=[
            jax.ShapeDtypeStruct((BATCH, VDIM), jnp.float32),
            jax.ShapeDtypeStruct((NUM_SKILLS,), jnp.float32),
        ],
        mesh=plsc.VectorSubcoreMesh(core_axis_name="c",
                                    subcore_axis_name="s"),
        scratch_types=[
            pltpu.VMEM((ROWS_PER_GATHER_TILE,), jnp.int32),
            pltpu.VMEM((ROWS_PER_GATHER_TILE, VDIM), jnp.float32),
            pltpu.VMEM((16,), jnp.int32),
            pltpu.VMEM((16,), jnp.float32),
            pltpu.VMEM((16,), jnp.float32),
            pltpu.VMEM((S_CHUNK,), jnp.float32),
            pltpu.SemaphoreType.DMA,
        ],
    )
    retr2d, new_strengths = sc_fn(values2d, best_idx, skill_strengths)
    retrieved = retr2d.reshape(BATCH, CHUNK, ACTION_DIM)
    return retrieved, best_sim, new_strengths

# --- scband reference (transcript-rebuilt; emitter-appended) ---
"""Pipeline reference for scband-procedural-skill-memory-80882824118920 (READ-ONLY COPY).

The authoritative reference and input builder live on the scoring server;
editing this copy changes nothing except your own understanding.
"""

import jax, jax.numpy as jnp
import numpy as np

BATCH = 64
STATE_DIM = 64
ACTION_DIM = 32
NUM_SKILLS = 100000
CHUNK = 8


def setup_inputs(seed: int = 0) -> dict:
    key = jax.random.key(seed)
    ks = jax.random.split(key, 6)
    state = jax.random.normal(ks[0], (BATCH, STATE_DIM), dtype=jnp.float32)
    # key_encoder = Linear(state_dim, state_dim) + LayerNorm(state_dim)
    W = jax.random.normal(ks[1], (STATE_DIM, STATE_DIM), dtype=jnp.float32) * (1.0 / np.sqrt(STATE_DIM))
    b = jnp.zeros((STATE_DIM,), dtype=jnp.float32)
    gamma = jnp.ones((STATE_DIM,), dtype=jnp.float32)
    beta = jnp.zeros((STATE_DIM,), dtype=jnp.float32)
    # buffers: populated skill memory (skill_count == num_skills)
    skill_keys = jax.random.normal(ks[2], (NUM_SKILLS, STATE_DIM), dtype=jnp.float32)
    skill_values = jax.random.normal(ks[3], (NUM_SKILLS, CHUNK, ACTION_DIM), dtype=jnp.float32)
    skill_strengths = jax.random.uniform(ks[4], (NUM_SKILLS,), dtype=jnp.float32)
    return {
        'state': state,
        'W': W,
        'b': b,
        'gamma': gamma,
        'beta': beta,
        'skill_keys': skill_keys,
        'skill_values': skill_values,
        'skill_strengths': skill_strengths,
    }


def reference(state, W, b, gamma, beta, skill_keys, skill_values, skill_strengths):
    # query = key_encoder(state): Linear then LayerNorm (eps=1e-5, biased var)
    q = state @ W.T + b
    mu = jnp.mean(q, axis=-1, keepdims=True)
    var = jnp.var(q, axis=-1, keepdims=True)
    q = (q - mu) / jnp.sqrt(var + 1e-5) * gamma + beta
    # F.cosine_similarity(query[:,None,:], keys[None,:,:], dim=-1), eps=1e-8
    qn = q / jnp.clip(jnp.linalg.norm(q, axis=-1, keepdims=True), 1e-8)
    kn = skill_keys / jnp.clip(jnp.linalg.norm(skill_keys, axis=-1, keepdims=True), 1e-8)
    similarities = qn @ kn.T  # [BATCH, NUM_SKILLS]
    best_idx = jnp.argmax(similarities, axis=-1)  # [BATCH]
    best_similarity = jnp.max(similarities, axis=-1)  # [BATCH]
    # gather retrieved skill chunks
    retrieved = jnp.take(skill_values, best_idx, axis=0)  # [BATCH, CHUNK, ACTION_DIM]
    # strength reinforcement: scatter-overwrite (threshold branch assumed taken)
    new_strengths = skill_strengths.at[best_idx].set(
        jnp.minimum(skill_strengths[best_idx] * 1.01, 10.0)
    )
    return retrieved, best_similarity, new_strengths

if __name__ == "__main__":
    import jax
    _d = setup_inputs()
    print(jax.jit(kernel)(*tuple(_d.values())))

</pallas_src>

<mosaic_0001>
#map = affine_map<(d0, d1) -> (0, 0)>
#map1 = affine_map<(d0, d1) -> (0)>
module attributes {stable_mosaic.version = 14 : i64} {
  func.func @_retrieve_kernel(%arg0: i32, %arg1: i32, %arg2: memref<100000x256xf32, #tpu.memory_space<hbm>>, %arg3: memref<64xi32, #tpu.memory_space<hbm>>, %arg4: memref<100000xf32, #tpu.memory_space<hbm>>, %arg5: memref<64x256xf32, #tpu.memory_space<hbm>>, %arg6: memref<100000xf32, #tpu.memory_space<hbm>>, %arg7: memref<8xi32, #tpu.memory_space<vmem>>, %arg8: memref<8x256xf32, #tpu.memory_space<vmem>>, %arg9: memref<16xi32, #tpu.memory_space<vmem>>, %arg10: memref<16xf32, #tpu.memory_space<vmem>>, %arg11: memref<16xf32, #tpu.memory_space<vmem>>, %arg12: memref<4000xf32, #tpu.memory_space<vmem>>, %arg13: memref<!tpu.dma_semaphore, #tpu.memory_space<semaphore_mem>>) attributes {dimension_semantics = [#tpu.dimension_semantics<core_parallel>, #tpu.dimension_semantics<subcore_parallel>], iteration_bounds = array<i64: 2, 16>, scalar_prefetch = 0 : i64, scratch_operands = 7 : i64, tpu.core_type = #tpu.core_type<sc_vector_subcore>, window_params = [{transform_indices = #map}, {transform_indices = #map1}, {transform_indices = #map1}, {transform_indices = #map}, {transform_indices = #map1}]} {
    %eq3A = arith.constant 1 : i32
    %eq3A_0 = arith.cmpi eq, %arg0, %eq3A : i32
    %lt3A = arith.constant 8 : i32
    %lt3A_1 = arith.cmpi slt, %arg1, %lt3A : i32
    %and3A = arith.andi %eq3A_0, %lt3A_1 : i1
    %convert_element_type3A = arith.extui %and3A : i1 to i32
    %cond3A = arith.constant 0 : i32
    %cond3A_2 = arith.cmpi ne, %convert_element_type3A, %cond3A : i32
    scf.if %cond3A_2 {
      %mul3A = arith.constant 8 : i32
      %mul3A_24 = arith.muli %arg1, %mul3A : i32
      %multiple_of3A = tpu.assume_multiple %mul3A_24, 8 : i32
      "tpu.region"() ({
        %run_scoped3A = tpu.sem_alloc : memref<!tpu.dma_semaphore, #tpu.memory_space<semaphore_mem>>
        %dma_start3A_29 = tpu.memref_slice %arg3[%multiple_of3A] : memref<64xi32, #tpu.memory_space<hbm>> -> memref<8xi32, #tpu.memory_space<hbm>>
        %dma_start3A_30 = tpu.memref_slice %arg3[%multiple_of3A] : memref<64xi32, #tpu.memory_space<hbm>> -> memref<8xi32, #tpu.memory_space<hbm>>
        tpu.enqueue_dma source(%dma_start3A_30 : memref<8xi32, #tpu.memory_space<hbm>>) target(%arg7 : memref<8xi32, #tpu.memory_space<vmem>>) target_semaphore(%run_scoped3A : memref<!tpu.dma_semaphore, #tpu.memory_space<semaphore_mem>>)
        %dma_wait3A_31 = tpu.memref_slice %arg3[%multiple_of3A] : memref<64xi32, #tpu.memory_space<hbm>> -> memref<8xi32, #tpu.memory_space<hbm>>
        %dma_wait3A_32 = tpu.memref_slice %arg3[%multiple_of3A] : memref<64xi32, #tpu.memory_space<hbm>> -> memref<8xi32, #tpu.memory_space<hbm>>
        tpu.wait_dma2 semaphore(%run_scoped3A : memref<!tpu.dma_semaphore, #tpu.memory_space<semaphore_mem>>) src(%dma_wait3A_32 : memref<8xi32, #tpu.memory_space<hbm>>) dst(%arg7 : memref<8xi32, #tpu.memory_space<vmem>>)
        tpu.yield
      }) : () -> ()
      %dma_start3A = arith.constant 0 : i32
      %dma_start3A_25 = arith.constant 0 : i32
      %dma_start3A_26 = tpu.memref_slice %arg2[%dma_start3A, %dma_start3A_25] : memref<100000x256xf32, #tpu.memory_space<hbm>> -> memref<100000x256xf32, #tpu.memory_space<hbm>>
      tpu.enqueue_indirect_dma source(%dma_start3A_26 : memref<100000x256xf32, #tpu.memory_space<hbm>>) target(%arg8 : memref<8x256xf32, #tpu.memory_space<vmem>>) offsets(%arg7 : memref<8xi32, #tpu.memory_space<vmem>>) semaphore(%arg13 : memref<!tpu.dma_semaphore, #tpu.memory_space<semaphore_mem>>)
      %dma_wait3A = arith.constant 0 : i32
      %dma_wait3A_27 = arith.constant 0 : i32
      %dma_wait3A_28 = tpu.memref_slice %arg2[%dma_wait3A, %dma_wait3A_27] : memref<100000x256xf32, #tpu.memory_space<hbm>> -> memref<100000x256xf32, #tpu.memory_space<hbm>>
      tpu.wait_indirect_dma semaphore(%arg13 : memref<!tpu.dma_semaphore, #tpu.memory_space<semaphore_mem>>) src(%dma_wait3A_28 : memref<100000x256xf32, #tpu.memory_space<hbm>>) dst(%arg8 : memref<8x256xf32, #tpu.memory_space<vmem>>)
      "tpu.region"() ({
        %run_scoped3A = tpu.sem_alloc : memref<!tpu.dma_semaphore, #tpu.memory_space<semaphore_mem>>
        %dma_start3A_29 = arith.constant 0 : i32
        %dma_start3A_30 = tpu.memref_slice %arg5[%multiple_of3A, %dma_start3A_29] : memref<64x256xf32, #tpu.memory_space<hbm>> -> memref<8x256xf32, #tpu.memory_space<hbm>>
        %dma_start3A_31 = arith.constant 0 : i32
        %dma_start3A_32 = tpu.memref_slice %arg5[%multiple_of3A, %dma_start3A_31] : memref<64x256xf32, #tpu.memory_space<hbm>> -> memref<8x256xf32, #tpu.memory_space<hbm>>
        tpu.enqueue_dma source(%arg8 : memref<8x256xf32, #tpu.memory_space<vmem>>) target(%dma_start3A_32 : memref<8x256xf32, #tpu.memory_space<hbm>>) target_semaphore(%run_scoped3A : memref<!tpu.dma_semaphore, #tpu.memory_space<semaphore_mem>>)
        %dma_wait3A_33 = arith.constant 0 : i32
        %dma_wait3A_34 = tpu.memref_slice %arg5[%multiple_of3A, %dma_wait3A_33] : memref<64x256xf32, #tpu.memory_space<hbm>> -> memref<8x256xf32, #tpu.memory_space<hbm>>
        %dma_wait3A_35 = arith.constant 0 : i32
        %dma_wait3A_36 = tpu.memref_slice %arg5[%multiple_of3A, %dma_wait3A_35] : memref<64x256xf32, #tpu.memory_space<hbm>> -> memref<8x256xf32, #tpu.memory_space<hbm>>
        tpu.wait_dma2 semaphore(%run_scoped3A : memref<!tpu.dma_semaphore, #tpu.memory_space<semaphore_mem>>) src(%arg8 : memref<8x256xf32, #tpu.memory_space<vmem>>) dst(%dma_wait3A_36 : memref<8x256xf32, #tpu.memory_space<hbm>>)
        tpu.yield
      }) : () -> ()
    } else {
    }
    %eq3A_3 = arith.constant 0 : i32
    %eq3A_4 = arith.cmpi eq, %arg0, %eq3A_3 : i32
    %convert_element_type3A_5 = arith.extui %eq3A_4 : i1 to i32
    %cond3A_6 = arith.constant 0 : i32
    %cond3A_7 = arith.cmpi ne, %convert_element_type3A_5, %cond3A_6 : i32
    scf.if %cond3A_7 {
      %mul3A = arith.constant 4000 : i32
      %mul3A_24 = arith.muli %arg1, %mul3A : i32
      %multiple_of3A = tpu.assume_multiple %mul3A_24, 8 : i32
      "tpu.region"() ({
        %run_scoped3A = tpu.sem_alloc : memref<!tpu.dma_semaphore, #tpu.memory_space<semaphore_mem>>
        %dma_start3A = tpu.memref_slice %arg4[%multiple_of3A] : memref<100000xf32, #tpu.memory_space<hbm>> -> memref<4000xf32, #tpu.memory_space<hbm>>
        %dma_start3A_25 = tpu.memref_slice %arg4[%multiple_of3A] : memref<100000xf32, #tpu.memory_space<hbm>> -> memref<4000xf32, #tpu.memory_space<hbm>>
        tpu.enqueue_dma source(%dma_start3A_25 : memref<4000xf32, #tpu.memory_space<hbm>>) target(%arg12 : memref<4000xf32, #tpu.memory_space<vmem>>) target_semaphore(%run_scoped3A : memref<!tpu.dma_semaphore, #tpu.memory_space<semaphore_mem>>)
        %dma_wait3A = tpu.memref_slice %arg4[%multiple_of3A] : memref<100000xf32, #tpu.memory_space<hbm>> -> memref<4000xf32, #tpu.memory_space<hbm>>
        %dma_wait3A_26 = tpu.memref_slice %arg4[%multiple_of3A] : memref<100000xf32, #tpu.memory_space<hbm>> -> memref<4000xf32, #tpu.memory_space<hbm>>
        tpu.wait_dma2 semaphore(%run_scoped3A : memref<!tpu.dma_semaphore, #tpu.memory_space<semaphore_mem>>) src(%dma_wait3A_26 : memref<4000xf32, #tpu.memory_space<hbm>>) dst(%arg12 : memref<4000xf32, #tpu.memory_space<vmem>>)
        tpu.yield
      }) : () -> ()
      "tpu.region"() ({
        %run_scoped3A = tpu.sem_alloc : memref<!tpu.dma_semaphore, #tpu.memory_space<semaphore_mem>>
        %dma_start3A = tpu.memref_slice %arg6[%multiple_of3A] : memref<100000xf32, #tpu.memory_space<hbm>> -> memref<4000xf32, #tpu.memory_space<hbm>>
        %dma_start3A_25 = tpu.memref_slice %arg6[%multiple_of3A] : memref<100000xf32, #tpu.memory_space<hbm>> -> memref<4000xf32, #tpu.memory_space<hbm>>
        tpu.enqueue_dma source(%arg12 : memref<4000xf32, #tpu.memory_space<vmem>>) target(%dma_start3A_25 : memref<4000xf32, #tpu.memory_space<hbm>>) target_semaphore(%run_scoped3A : memref<!tpu.dma_semaphore, #tpu.memory_space<semaphore_mem>>)
        %dma_wait3A = tpu.memref_slice %arg6[%multiple_of3A] : memref<100000xf32, #tpu.memory_space<hbm>> -> memref<4000xf32, #tpu.memory_space<hbm>>
        %dma_wait3A_26 = tpu.memref_slice %arg6[%multiple_of3A] : memref<100000xf32, #tpu.memory_space<hbm>> -> memref<4000xf32, #tpu.memory_space<hbm>>
        tpu.wait_dma2 semaphore(%run_scoped3A : memref<!tpu.dma_semaphore, #tpu.memory_space<semaphore_mem>>) src(%arg12 : memref<4000xf32, #tpu.memory_space<vmem>>) dst(%dma_wait3A_26 : memref<4000xf32, #tpu.memory_space<hbm>>)
        tpu.yield
      }) : () -> ()
    } else {
    }
    %eq3A_8 = arith.constant 0 : i32
    %eq3A_9 = arith.cmpi eq, %arg0, %eq3A_8 : i32
    %lt3A_10 = arith.constant 9 : i32
    %lt3A_11 = arith.cmpi slt, %arg1, %lt3A_10 : i32
    %and3A_12 = arith.andi %eq3A_9, %lt3A_11 : i1
    %convert_element_type3A_13 = arith.extui %and3A_12 : i1 to i32
    %cond3A_14 = arith.constant 0 : i32
    %cond3A_15 = arith.cmpi ne, %convert_element_type3A_13, %cond3A_14 : i32
    scf.if %cond3A_15 {
      %add3A = arith.constant 16 : i32
      %add3A_24 = arith.addi %arg1, %add3A : i32
      %mul3A = arith.constant 4000 : i32
      %mul3A_25 = arith.muli %add3A_24, %mul3A : i32
      %multiple_of3A = tpu.assume_multiple %mul3A_25, 8 : i32
      "tpu.region"() ({
        %run_scoped3A = tpu.sem_alloc : memref<!tpu.dma_semaphore, #tpu.memory_space<semaphore_mem>>
        %dma_start3A = tpu.memref_slice %arg4[%multiple_of3A] : memref<100000xf32, #tpu.memory_space<hbm>> -> memref<4000xf32, #tpu.memory_space<hbm>>
        %dma_start3A_26 = tpu.memref_slice %arg4[%multiple_of3A] : memref<100000xf32, #tpu.memory_space<hbm>> -> memref<4000xf32, #tpu.memory_space<hbm>>
        tpu.enqueue_dma source(%dma_start3A_26 : memref<4000xf32, #tpu.memory_space<hbm>>) target(%arg12 : memref<4000xf32, #tpu.memory_space<vmem>>) target_semaphore(%run_scoped3A : memref<!tpu.dma_semaphore, #tpu.memory_space<semaphore_mem>>)
        %dma_wait3A = tpu.memref_slice %arg4[%multiple_of3A] : memref<100000xf32, #tpu.memory_space<hbm>> -> memref<4000xf32, #tpu.memory_space<hbm>>
        %dma_wait3A_27 = tpu.memref_slice %arg4[%multiple_of3A] : memref<100000xf32, #tpu.memory_space<hbm>> -> memref<4000xf32, #tpu.memory_space<hbm>>
        tpu.wait_dma2 semaphore(%run_scoped3A : memref<!tpu.dma_semaphore, #tpu.memory_space<semaphore_mem>>) src(%dma_wait3A_27 : memref<4000xf32, #tpu.memory_space<hbm>>) dst(%arg12 : memref<4000xf32, #tpu.memory_space<vmem>>)
        tpu.yield
      }) : () -> ()
      "tpu.region"() ({
        %run_scoped3A = tpu.sem_alloc : memref<!tpu.dma_semaphore, #tpu.memory_space<semaphore_mem>>
        %dma_start3A = tpu.memref_slice %arg6[%multiple_of3A] : memref<100000xf32, #tpu.memory_space<hbm>> -> memref<4000xf32, #tpu.memory_space<hbm>>
        %dma_start3A_26 = tpu.memref_slice %arg6[%multiple_of3A] : memref<100000xf32, #tpu.memory_space<hbm>> -> memref<4000xf32, #tpu.memory_space<hbm>>
        tpu.enqueue_dma source(%arg12 : memref<4000xf32, #tpu.memory_space<vmem>>) target(%dma_start3A_26 : memref<4000xf32, #tpu.memory_space<hbm>>) target_semaphore(%run_scoped3A : memref<!tpu.dma_semaphore, #tpu.memory_space<semaphore_mem>>)
        %dma_wait3A = tpu.memref_slice %arg6[%multiple_of3A] : memref<100000xf32, #tpu.memory_space<hbm>> -> memref<4000xf32, #tpu.memory_space<hbm>>
        %dma_wait3A_27 = tpu.memref_slice %arg6[%multiple_of3A] : memref<100000xf32, #tpu.memory_space<hbm>> -> memref<4000xf32, #tpu.memory_space<hbm>>
        tpu.wait_dma2 semaphore(%run_scoped3A : memref<!tpu.dma_semaphore, #tpu.memory_space<semaphore_mem>>) src(%arg12 : memref<4000xf32, #tpu.memory_space<vmem>>) dst(%dma_wait3A_27 : memref<4000xf32, #tpu.memory_space<hbm>>)
        tpu.yield
      }) : () -> ()
    } else {
    }
    %barrier3A = arith.constant 0 : index
    tpu.barrier barrier_id(%barrier3A)
    %eq3A_16 = arith.constant 0 : i32
    %eq3A_17 = arith.cmpi eq, %arg0, %eq3A_16 : i32
    %lt3A_18 = arith.constant 4 : i32
    %lt3A_19 = arith.cmpi slt, %arg1, %lt3A_18 : i32
    %and3A_20 = arith.andi %eq3A_17, %lt3A_19 : i1
    %convert_element_type3A_21 = arith.extui %and3A_20 : i1 to i32
    %cond3A_22 = arith.constant 0 : i32
    %cond3A_23 = arith.cmpi ne, %convert_element_type3A_21, %cond3A_22 : i32
    scf.if %cond3A_23 {
      %mul3A = arith.constant 16 : i32
      %mul3A_24 = arith.muli %arg1, %mul3A : i32
      %multiple_of3A = tpu.assume_multiple %mul3A_24, 8 : i32
      "tpu.region"() ({
        %run_scoped3A = tpu.sem_alloc : memref<!tpu.dma_semaphore, #tpu.memory_space<semaphore_mem>>
        %dma_start3A_41 = tpu.memref_slice %arg3[%multiple_of3A] : memref<64xi32, #tpu.memory_space<hbm>> -> memref<16xi32, #tpu.memory_space<hbm>>
        %dma_start3A_42 = tpu.memref_slice %arg3[%multiple_of3A] : memref<64xi32, #tpu.memory_space<hbm>> -> memref<16xi32, #tpu.memory_space<hbm>>
        tpu.enqueue_dma source(%dma_start3A_42 : memref<16xi32, #tpu.memory_space<hbm>>) target(%arg9 : memref<16xi32, #tpu.memory_space<vmem>>) target_semaphore(%run_scoped3A : memref<!tpu.dma_semaphore, #tpu.memory_space<semaphore_mem>>)
        %dma_wait3A_43 = tpu.memref_slice %arg3[%multiple_of3A] : memref<64xi32, #tpu.memory_space<hbm>> -> memref<16xi32, #tpu.memory_space<hbm>>
        %dma_wait3A_44 = tpu.memref_slice %arg3[%multiple_of3A] : memref<64xi32, #tpu.memory_space<hbm>> -> memref<16xi32, #tpu.memory_space<hbm>>
        tpu.wait_dma2 semaphore(%run_scoped3A : memref<!tpu.dma_semaphore, #tpu.memory_space<semaphore_mem>>) src(%dma_wait3A_44 : memref<16xi32, #tpu.memory_space<hbm>>) dst(%arg9 : memref<16xi32, #tpu.memory_space<vmem>>)
        tpu.yield
      }) : () -> ()
      %dma_start3A = arith.constant 0 : i32
      %dma_start3A_25 = tpu.memref_slice %arg4[%dma_start3A] : memref<100000xf32, #tpu.memory_space<hbm>> -> memref<100000xf32, #tpu.memory_space<hbm>>
      tpu.enqueue_indirect_dma source(%dma_start3A_25 : memref<100000xf32, #tpu.memory_space<hbm>>) target(%arg10 : memref<16xf32, #tpu.memory_space<vmem>>) offsets(%arg9 : memref<16xi32, #tpu.memory_space<vmem>>) semaphore(%arg13 : memref<!tpu.dma_semaphore, #tpu.memory_space<semaphore_mem>>)
      %dma_wait3A = arith.constant 0 : i32
      %dma_wait3A_26 = tpu.memref_slice %arg4[%dma_wait3A] : memref<100000xf32, #tpu.memory_space<hbm>> -> memref<100000xf32, #tpu.memory_space<hbm>>
      tpu.wait_indirect_dma semaphore(%arg13 : memref<!tpu.dma_semaphore, #tpu.memory_space<semaphore_mem>>) src(%dma_wait3A_26 : memref<100000xf32, #tpu.memory_space<hbm>>) dst(%arg10 : memref<16xf32, #tpu.memory_space<vmem>>)
      %get3A = arith.constant 0 : index
      %get3A_27 = tpu.vector_load %arg10[%get3A] {strides = array<i32>} : memref<16xf32, #tpu.memory_space<vmem>>, vector<16xf32>,
      %get3A_28 = vector.shape_cast %get3A_27 : vector<16xf32> to vector<16xf32>
      %mul3A_29 = arith.constant 1.010000e+00 : f32
      %mul3A_30 = vector.broadcast %mul3A_29 : f32 to vector<16xf32>
      %mul3A_31 = arith.mulf %get3A_28, %mul3A_30 : vector<16xf32>
      %min3A = arith.constant 1.000000e+01 : f32
      %min3A_32 = vector.broadcast %min3A : f32 to vector<16xf32>
      %min3A_33 = arith.minimumf %mul3A_31, %min3A_32 : vector<16xf32>
      %swap3A = arith.constant 0 : index
      %swap3A_34 = tpu.vector_load %arg11[%swap3A] {strides = array<i32>} : memref<16xf32, #tpu.memory_space<vmem>>, vector<16xf32>,
      %swap3A_35 = vector.shape_cast %swap3A_34 : vector<16xf32> to vector<16xf32>
      %swap3A_36 = vector.shape_cast %min3A_33 : vector<16xf32> to vector<16xf32>
      tpu.vector_store %arg11[%swap3A], %swap3A_36 {strides = array<i32>} : memref<16xf32, #tpu.memory_space<vmem>>, vector<16xf32>,
      %dma_start3A_37 = arith.constant 0 : i32
      %dma_start3A_38 = tpu.memref_slice %arg6[%dma_start3A_37] : memref<100000xf32, #tpu.memory_space<hbm>> -> memref<100000xf32, #tpu.memory_space<hbm>>
      tpu.enqueue_indirect_dma source(%arg11 : memref<16xf32, #tpu.memory_space<vmem>>) target(%dma_start3A_38 : memref<100000xf32, #tpu.memory_space<hbm>>) offsets(%arg9 : memref<16xi32, #tpu.memory_space<vmem>>) semaphore(%arg13 : memref<!tpu.dma_semaphore, #tpu.memory_space<semaphore_mem>>)
      %dma_wait3A_39 = arith.constant 0 : i32
      %dma_wait3A_40 = tpu.memref_slice %arg6[%dma_wait3A_39] : memref<100000xf32, #tpu.memory_space<hbm>> -> memref<100000xf32, #tpu.memory_space<hbm>>
      tpu.wait_indirect_dma semaphore(%arg13 : memref<!tpu.dma_semaphore, #tpu.memory_space<semaphore_mem>>) src(%arg11 : memref<16xf32, #tpu.memory_space<vmem>>) dst(%dma_wait3A_40 : memref<100000xf32, #tpu.memory_space<hbm>>)
    } else {
    }
    return
  }
}

module attributes {stable_mosaic.version = 14 : i64} {
  func.func @_sim_argmax_kernel(%arg0: i32, %arg1: memref<64x64xf32, #tpu.memory_space<vmem>>, %arg2: memref<64x64xf32, #tpu.memory_space<vmem>>, %arg3: memref<1x64xf32, #tpu.memory_space<vmem>>, %arg4: memref<1x64xf32, #tpu.memory_space<vmem>>, %arg5: memref<1x64xf32, #tpu.memory_space<vmem>>, %arg6: memref<4000x64xf32, #tpu.memory_space<vmem>>, %arg7: memref<1x64xi32, #tpu.memory_space<vmem>>, %arg8: memref<1x64xf32, #tpu.memory_space<vmem>>, %arg9: memref<64x64xbf16, #tpu.memory_space<vmem>>, %arg10: memref<1x64xf32, #tpu.memory_space<vmem>>, %arg11: memref<1x64xi32, #tpu.memory_space<vmem>>) attributes {dimension_semantics = [#tpu.dimension_semantics<arbitrary>], iteration_bounds = array<i64: 25>, scalar_prefetch = 0 : i64, scratch_operands = 3 : i64, tpu.core_type = #tpu.core_type<tc>, window_params = [{pipeline_mode = #tpu.pipeline_mode<synchronous>, transform_indices = @transform_0, window_bounds = array<i64: 64, 64>}, {pipeline_mode = #tpu.pipeline_mode<synchronous>, transform_indices = @transform_1, window_bounds = array<i64: 64, 64>}, {pipeline_mode = #tpu.pipeline_mode<synchronous>, transform_indices = @transform_2, window_bounds = array<i64: 1, 64>}, {pipeline_mode = #tpu.pipeline_mode<synchronous>, transform_indices = @transform_3, window_bounds = array<i64: 1, 64>}, {pipeline_mode = #tpu.pipeline_mode<synchronous>, transform_indices = @transform_4, window_bounds = array<i64: 1, 64>}, {transform_indices = @transform_5, window_bounds = array<i64: 4000, 64>}, {pipeline_mode = #tpu.pipeline_mode<synchronous>, transform_indices = @transform_6, window_bounds = array<i64: 1, 64>}, {pipeline_mode = #tpu.pipeline_mode<synchronous>, transform_indices = @transform_7, window_bounds = array<i64: 1, 64>}]} {
    %eq3A = arith.constant 0 : i32
    %eq3A_0 = arith.cmpi eq, %arg0, %eq3A : i32
    %convert_element_type3A = arith.extui %eq3A_0 : i1 to i32
    %cond3A = arith.constant 0 : i32
    %cond3A_1 = arith.cmpi ne, %convert_element_type3A, %cond3A : i32
    scf.if %cond3A_1 {
      %get3A_44 = arith.constant 0 : index
      %get3A_45 = arith.constant 0 : index
      %get3A_46 = vector.load %arg1[%get3A_44, %get3A_45] : memref<64x64xf32, #tpu.memory_space<vmem>>, vector<64x64xf32>
      %convert_element_type3A_47 = arith.truncf %get3A_46 : vector<64x64xf32> to vector<64x64xbf16>
      %get3A_48 = arith.constant 0 : index
      %get3A_49 = arith.constant 0 : index
      %get3A_50 = vector.load %arg2[%get3A_48, %get3A_49] : memref<64x64xf32, #tpu.memory_space<vmem>>, vector<64x64xf32>
      %convert_element_type3A_51 = arith.truncf %get3A_50 : vector<64x64xf32> to vector<64x64xbf16>
      %dot_general3A_52 = arith.constant dense<0.000000e+00> : vector<64x64xf32>
      %dot_general3A_53 = tpu.matmul %convert_element_type3A_47, %convert_element_type3A_51, %dot_general3A_52 {dimension_numbers = #tpu.dot_dimension_numbers<[1], [1], [0], [0], [0, 0, 1, 0], [], []>, transpose_lhs_hint = false} : vector<64x64xbf16>, vector<64x64xbf16>, vector<64x64xf32> -> vector<64x64xf32>
      %get3A_54 = arith.constant 0 : index
      %get3A_55 = arith.constant 0 : index
      %get3A_56 = vector.load %arg3[%get3A_54, %get3A_55] : memref<1x64xf32, #tpu.memory_space<vmem>>, vector<1x64xf32>
      %add3A_57 = vector.broadcast %get3A_56 : vector<1x64xf32> to vector<64x64xf32>
      %add3A_58 = arith.addf %dot_general3A_53, %add3A_57 : vector<64x64xf32>
      %reduce_sum3A_59 = arith.constant dense<0.000000e+00> : vector<64xf32>
      %reduce_sum3A_60 = vector.multi_reduction <add>, %add3A_58, %reduce_sum3A_59 [1] : vector<64x64xf32> to vector<64xf32>
      %broadcast_in_dim3A_61 = vector.shape_cast %reduce_sum3A_60 : vector<64xf32> to vector<64x1xf32>
      %div3A_62 = arith.constant 6.400000e+01 : f32
      %div3A_63 = vector.broadcast %div3A_62 : f32 to vector<64x1xf32>
      %div3A_64 = arith.divf %broadcast_in_dim3A_61, %div3A_63 : vector<64x1xf32>
      %sub3A = vector.broadcast %div3A_64 : vector<64x1xf32> to vector<64x64xf32>
      %sub3A_65 = arith.subf %add3A_58, %sub3A : vector<64x64xf32>
      %sub3A_66 = vector.broadcast %div3A_64 : vector<64x1xf32> to vector<64x64xf32>
      %sub3A_67 = arith.subf %add3A_58, %sub3A_66 : vector<64x64xf32>
      %mul3A_68 = arith.mulf %sub3A_65, %sub3A_67 : vector<64x64xf32>
      %reduce_sum3A_69 = arith.constant dense<0.000000e+00> : vector<64xf32>
      %reduce_sum3A_70 = vector.multi_reduction <add>, %mul3A_68, %reduce_sum3A_69 [1] : vector<64x64xf32> to vector<64xf32>
      %broadcast_in_dim3A_71 = vector.shape_cast %reduce_sum3A_70 : vector<64xf32> to vector<64x1xf32>
      %div3A_72 = arith.constant 6.400000e+01 : f32
      %div3A_73 = vector.broadcast %div3A_72 : f32 to vector<64x1xf32>
      %div3A_74 = arith.divf %broadcast_in_dim3A_71, %div3A_73 : vector<64x1xf32>
      %sub3A_75 = vector.broadcast %div3A_64 : vector<64x1xf32> to vector<64x64xf32>
      %sub3A_76 = arith.subf %add3A_58, %sub3A_75 : vector<64x64xf32>
      %add3A_77 = arith.constant 9.99999974E-6 : f32
      %add3A_78 = vector.broadcast %add3A_77 : f32 to vector<64x1xf32>
      %add3A_79 = arith.addf %div3A_74, %add3A_78 : vector<64x1xf32>
      %sqrt3A_80 = math.sqrt %add3A_79 : vector<64x1xf32>
      %div3A_81 = vector.broadcast %sqrt3A_80 : vector<64x1xf32> to vector<64x64xf32>
      %div3A_82 = arith.divf %sub3A_76, %div3A_81 : vector<64x64xf32>
      %get3A_83 = arith.constant 0 : index
      %get3A_84 = arith.constant 0 : index
      %get3A_85 = vector.load %arg4[%get3A_83, %get3A_84] : memref<1x64xf32, #tpu.memory_space<vmem>>, vector<1x64xf32>
      %mul3A_86 = vector.broadcast %get3A_85 : vector<1x64xf32> to vector<64x64xf32>
      %mul3A_87 = arith.mulf %div3A_82, %mul3A_86 : vector<64x64xf32>
      %get3A_88 = arith.constant 0 : index
      %get3A_89 = arith.constant 0 : index
      %get3A_90 = vector.load %arg5[%get3A_88, %get3A_89] : memref<1x64xf32, #tpu.memory_space<vmem>>, vector<1x64xf32>
      %add3A_91 = vector.broadcast %get3A_90 : vector<1x64xf32> to vector<64x64xf32>
      %add3A_92 = arith.addf %mul3A_87, %add3A_91 : vector<64x64xf32>
      %mul3A_93 = arith.mulf %add3A_92, %add3A_92 : vector<64x64xf32>
      %reduce_sum3A_94 = arith.constant dense<0.000000e+00> : vector<64xf32>
      %reduce_sum3A_95 = vector.multi_reduction <add>, %mul3A_93, %reduce_sum3A_94 [1] : vector<64x64xf32> to vector<64xf32>
      %broadcast_in_dim3A_96 = vector.shape_cast %reduce_sum3A_95 : vector<64xf32> to vector<64x1xf32>
      %sqrt3A_97 = math.sqrt %broadcast_in_dim3A_96 : vector<64x1xf32>
      %max3A_98 = arith.constant 9.99999993E-9 : f32
      %max3A_99 = vector.broadcast %max3A_98 : f32 to vector<64x1xf32>
      %max3A_100 = arith.maximumf %sqrt3A_97, %max3A_99 : vector<64x1xf32>
      %div3A_101 = vector.broadcast %max3A_100 : vector<64x1xf32> to vector<64x64xf32>
      %div3A_102 = arith.divf %add3A_92, %div3A_101 : vector<64x64xf32>
      %convert_element_type3A_103 = arith.truncf %div3A_102 : vector<64x64xf32> to vector<64x64xbf16>
      %swap3A_104 = arith.constant 0 : index
      %swap3A_105 = arith.constant 0 : index
      %swap3A_106 = vector.load %arg9[%swap3A_104, %swap3A_105] : memref<64x64xbf16, #tpu.memory_space<vmem>>, vector<64x64xbf16>
      tpu.vector_store %arg9[%swap3A_104, %swap3A_105], %convert_element_type3A_103 {strides = array<i32>} : memref<64x64xbf16, #tpu.memory_space<vmem>>, vector<64x64xbf16>,
      %broadcast_in_dim3A_107 = arith.constant 0xFF800000 : f32
      %broadcast_in_dim3A_108 = vector.broadcast %broadcast_in_dim3A_107 : f32 to vector<1x64xf32>
      %swap3A_109 = arith.constant 0 : index
      %swap3A_110 = arith.constant 0 : index
      %swap3A_111 = vector.load %arg10[%swap3A_109, %swap3A_110] : memref<1x64xf32, #tpu.memory_space<vmem>>, vector<1x64xf32>
      tpu.vector_store %arg10[%swap3A_109, %swap3A_110], %broadcast_in_dim3A_108 {strides = array<i32>} : memref<1x64xf32, #tpu.memory_space<vmem>>, vector<1x64xf32>,
      %broadcast_in_dim3A_112 = arith.constant 0 : i32
      %broadcast_in_dim3A_113 = vector.broadcast %broadcast_in_dim3A_112 : i32 to vector<1x64xi32>
      %swap3A_114 = arith.constant 0 : index
      %swap3A_115 = arith.constant 0 : index
      %swap3A_116 = vector.load %arg11[%swap3A_114, %swap3A_115] : memref<1x64xi32, #tpu.memory_space<vmem>>, vector<1x64xi32>
      tpu.vector_store %arg11[%swap3A_114, %swap3A_115], %broadcast_in_dim3A_113 {strides = array<i32>} : memref<1x64xi32, #tpu.memory_space<vmem>>, vector<1x64xi32>,
    } else {
    }
    %get3A = arith.constant 0 : index
    %get3A_2 = arith.constant 0 : index
    %get3A_3 = vector.load %arg6[%get3A, %get3A_2] : memref<4000x64xf32, #tpu.memory_space<vmem>>, vector<4000x64xf32>
    %mul3A = arith.mulf %get3A_3, %get3A_3 : vector<4000x64xf32>
    %reduce_sum3A = arith.constant dense<0.000000e+00> : vector<4000xf32>
    %reduce_sum3A_4 = vector.multi_reduction <add>, %mul3A, %reduce_sum3A [1] : vector<4000x64xf32> to vector<4000xf32>
    %broadcast_in_dim3A = vector.shape_cast %reduce_sum3A_4 : vector<4000xf32> to vector<4000x1xf32>
    %sqrt3A = math.sqrt %broadcast_in_dim3A : vector<4000x1xf32>
    %max3A = arith.constant 9.99999993E-9 : f32
    %max3A_5 = vector.broadcast %max3A : f32 to vector<4000x1xf32>
    %max3A_6 = arith.maximumf %sqrt3A, %max3A_5 : vector<4000x1xf32>
    %div3A = vector.broadcast %max3A_6 : vector<4000x1xf32> to vector<4000x64xf32>
    %div3A_7 = arith.divf %get3A_3, %div3A : vector<4000x64xf32>
    %convert_element_type3A_8 = arith.truncf %div3A_7 : vector<4000x64xf32> to vector<4000x64xbf16>
    %get3A_9 = arith.constant 0 : index
    %get3A_10 = arith.constant 0 : index
    %get3A_11 = vector.load %arg9[%get3A_9, %get3A_10] : memref<64x64xbf16, #tpu.memory_space<vmem>>, vector<64x64xbf16>
    %dot_general3A = arith.constant dense<0.000000e+00> : vector<4000x64xf32>
    %dot_general3A_12 = tpu.matmul %convert_element_type3A_8, %get3A_11, %dot_general3A {dimension_numbers = #tpu.dot_dimension_numbers<[1], [1], [0], [0], [0, 0, 1, 0], [], []>, transpose_lhs_hint = false} : vector<4000x64xbf16>, vector<64x64xbf16>, vector<4000x64xf32> -> vector<4000x64xf32>
    %reduce_max3A = arith.constant dense<0xFF800000> : vector<64xf32>
    %reduce_max3A_13 = vector.multi_reduction <maximumf>, %dot_general3A_12, %reduce_max3A [0] : vector<4000x64xf32> to vector<64xf32>
    %broadcast_in_dim3A_14 = vector.shape_cast %reduce_max3A_13 : vector<64xf32> to vector<1x64xf32>
    %iota3A = tpu.iota {dimensions = array<i32: 0>} : vector<4000x64xi32>
    %eq3A_15 = vector.broadcast %broadcast_in_dim3A_14 : vector<1x64xf32> to vector<4000x64xf32>
    %eq3A_16 = arith.cmpf oeq, %dot_general3A_12, %eq3A_15 : vector<4000x64xf32>
    %jit3A = arith.constant 4000 : i32
    %broadcast_in_dim3A_17 = vector.broadcast %jit3A : i32 to vector<4000x64xi32>
    %select_n3A = arith.select %eq3A_16, %iota3A, %broadcast_in_dim3A_17 : vector<4000x64xi1>, vector<4000x64xi32>
    %reduce_min3A = arith.constant dense<2147483647> : vector<64xi32>
    %reduce_min3A_18 = vector.multi_reduction <minsi>, %select_n3A, %reduce_min3A [0] : vector<4000x64xi32> to vector<64xi32>
    %broadcast_in_dim3A_19 = vector.shape_cast %reduce_min3A_18 : vector<64xi32> to vector<1x64xi32>
    %mul3A_20 = arith.constant 4000 : i32
    %mul3A_21 = arith.muli %arg0, %mul3A_20 : i32
    %add3A = vector.broadcast %mul3A_21 : i32 to vector<1x64xi32>
    %add3A_22 = arith.addi %broadcast_in_dim3A_19, %add3A : vector<1x64xi32>
    %get3A_23 = arith.constant 0 : index
    %get3A_24 = arith.constant 0 : index
    %get3A_25 = vector.load %arg10[%get3A_23, %get3A_24] : memref<1x64xf32, #tpu.memory_space<vmem>>, vector<1x64xf32>
    %gt3A = arith.cmpf ogt, %broadcast_in_dim3A_14, %get3A_25 : vector<1x64xf32>
    %get3A_26 = arith.constant 0 : index
    %get3A_27 = arith.constant 0 : index
    %get3A_28 = vector.load %arg10[%get3A_26, %get3A_27] : memref<1x64xf32, #tpu.memory_space<vmem>>, vector<1x64xf32>
    %select_n3A_29 = arith.select %gt3A, %broadcast_in_dim3A_14, %get3A_28 : vector<1x64xi1>, vector<1x64xf32>
    %swap3A = arith.constant 0 : index
    %swap3A_30 = arith.constant 0 : index
    %swap3A_31 = vector.load %arg10[%swap3A, %swap3A_30] : memref<1x64xf32, #tpu.memory_space<vmem>>, vector<1x64xf32>
    tpu.vector_store %arg10[%swap3A, %swap3A_30], %select_n3A_29 {strides = array<i32>} : memref<1x64xf32, #tpu.memory_space<vmem>>, vector<1x64xf32>,
    %get3A_32 = arith.constant 0 : index
    %get3A_33 = arith.constant 0 : index
    %get3A_34 = vector.load %arg11[%get3A_32, %get3A_33] : memref<1x64xi32, #tpu.memory_space<vmem>>, vector<1x64xi32>
    %select_n3A_35 = arith.select %gt3A, %add3A_22, %get3A_34 : vector<1x64xi1>, vector<1x64xi32>
    %swap3A_36 = arith.constant 0 : index
    %swap3A_37 = arith.constant 0 : index
    %swap3A_38 = vector.load %arg11[%swap3A_36, %swap3A_37] : memref<1x64xi32, #tpu.memory_space<vmem>>, vector<1x64xi32>
    tpu.vector_store %arg11[%swap3A_36, %swap3A_37], %select_n3A_35 {strides = array<i32>} : memref<1x64xi32, #tpu.memory_space<vmem>>, vector<1x64xi32>,
    %eq3A_39 = arith.constant 24 : i32
    %eq3A_40 = arith.cmpi eq, %arg0, %eq3A_39 : i32
    %convert_element_type3A_41 = arith.extui %eq3A_40 : i1 to i32
    %cond3A_42 = arith.constant 0 : i32
    %cond3A_43 = arith.cmpi ne, %convert_element_type3A_41, %cond3A_42 : i32
    scf.if %cond3A_43 {
      %get3A_44 = arith.constant 0 : index
      %get3A_45 = arith.constant 0 : index
      %get3A_46 = vector.load %arg10[%get3A_44, %get3A_45] : memref<1x64xf32, #tpu.memory_space<vmem>>, vector<1x64xf32>
      %swap3A_47 = arith.constant 0 : index
      %swap3A_48 = arith.constant 0 : index
      %swap3A_49 = vector.load %arg8[%swap3A_47, %swap3A_48] : memref<1x64xf32, #tpu.memory_space<vmem>>, vector<1x64xf32>
      tpu.vector_store %arg8[%swap3A_47, %swap3A_48], %get3A_46 {strides = array<i32>} : memref<1x64xf32, #tpu.memory_space<vmem>>, vector<1x64xf32>,
      %get3A_50 = arith.constant 0 : index
      %get3A_51 = arith.constant 0 : index
      %get3A_52 = vector.load %arg11[%get3A_50, %get3A_51] : memref<1x64xi32, #tpu.memory_space<vmem>>, vector<1x64xi32>
      %swap3A_53 = arith.constant 0 : index
      %swap3A_54 = arith.constant 0 : index
      %swap3A_55 = vector.load %arg7[%swap3A_53, %swap3A_54] : memref<1x64xi32, #tpu.memory_space<vmem>>, vector<1x64xi32>
      tpu.vector_store %arg7[%swap3A_53, %swap3A_54], %get3A_52 {strides = array<i32>} : memref<1x64xi32, #tpu.memory_space<vmem>>, vector<1x64xi32>,
    } else {
    }
    return
  }
  func.func @transform_0(%arg0: i32) -> (i32, i32) {
    %c0_i32 = arith.constant 0 : i32
    %c0_i32_0 = arith.constant 0 : i32
    %c0_i32_1 = arith.constant 0 : i32
    return %c0_i32, %c0_i32_0 : i32, i32
  }
  func.func @transform_1(%arg0: i32) -> (i32, i32) {
    %c0_i32 = arith.constant 0 : i32
    %c0_i32_0 = arith.constant 0 : i32
    %c0_i32_1 = arith.constant 0 : i32
    return %c0_i32, %c0_i32_0 : i32, i32
  }
  func.func @transform_2(%arg0: i32) -> (i32, i32) {
    %c0_i32 = arith.constant 0 : i32
    %c0_i32_0 = arith.constant 0 : i32
    %c0_i32_1 = arith.constant 0 : i32
    return %c0_i32, %c0_i32_0 : i32, i32
  }
  func.func @transform_3(%arg0: i32) -> (i32, i32) {
    %c0_i32 = arith.constant 0 : i32
    %c0_i32_0 = arith.constant 0 : i32
    %c0_i32_1 = arith.constant 0 : i32
    return %c0_i32, %c0_i32_0 : i32, i32
  }
  func.func @transform_4(%arg0: i32) -> (i32, i32) {
    %c0_i32 = arith.constant 0 : i32
    %c0_i32_0 = arith.constant 0 : i32
    %c0_i32_1 = arith.constant 0 : i32
    return %c0_i32, %c0_i32_0 : i32, i32
  }
  func.func @transform_5(%arg0: i32) -> (i32, i32) {
    %c0_i32 = arith.constant 0 : i32
    %c0_i32_0 = arith.constant 0 : i32
    return %arg0, %c0_i32 : i32, i32
  }
  func.func @transform_6(%arg0: i32) -> (i32, i32) {
    %c0_i32 = arith.constant 0 : i32
    %c0_i32_0 = arith.constant 0 : i32
    %c0_i32_1 = arith.constant 0 : i32
    return %c0_i32, %c0_i32_0 : i32, i32
  }
  func.func @transform_7(%arg0: i32) -> (i32, i32) {
    %c0_i32 = arith.constant 0 : i32
    %c0_i32_0 = arith.constant 0 : i32
    %c0_i32_1 = arith.constant 0 : i32
    return %c0_i32, %c0_i32_0 : i32, i32
  }
}

</mosaic_0001>

<sc_bundles>
// kernel: kernel.4.cloned.1.call-start
scs
__scs_entry_jumppad:
0x0: {  	(pc) =	sbr.rel $0x88, $3  }
0x1: {  	(tag) =	ssettag $0x0;
	lr =	simm.s32 $0x1  }
0x2: {  	[smem:$0x3F99] =	sst lr;
	_ =	strace $0xD0000000  }
0x3: {  	_ = 	snop  }
0x4: {  	_ = 	snop  }
0x5: {  	_ = 	snop  }
0x6: {  	_ = 	snop  }
0x7: {  	_ = 	snop  }
__scs_overlays_trampoline_lowered:
0x8: {  	[smem:$0x3FA8] =	sst s0  }
0x9: {  	[smem:$0x3FA9] =	sst s1  }
0xa: {  	[smem:$0x3FAA] =	sst s2  }
0xb: {  	[smem:$0x3FAB] =	sst s3  }
0xc: {  	[smem:$0x3FAC] =	sst s4  }
0xd: {  	[smem:$0x3FAD] =	sst s5  }
0xe: {  	[smem:$0x3FAE] =	sst s6  }
0xf: {  	[smem:$0x3FAF] =	sst s7  }
0x10: {  	[smem:$0x3FB0] =	sst s8  }
0x11: {  	[smem:$0x3FB1] =	sst s9;
	s0 =	simm.s32 @!p0 $0x0  }
0x12: {  	s1 =	sld [smem:$0x3F97];
	s0 =	simm.s32 @p0 $0x1  }
0x13: {  	[smem:$0x3FB2] =	sst s0;
	s0 =	simm.s32 @!p1 $0x0  }
0x14: {  	s2 =	sld [smem:$0x3F96];
	s0 =	simm.s32 @p1 $0x1  }
0x15: {  	[smem:$0x3FB3] =	sst s0;
	s0 =	simm.s32 @!p2 $0x0  }
0x16: {  	s3 =	sld [smem:$0x3FDB];
	s0 =	simm.s32 @p2 $0x1  }
0x17: {  	s4 =	simm.s32 $0x1BF5;
	[smem:$0x3FB5] =	sst s0  }
0x18: {  	s0 =	sld [smem:$0x3F98];
	_ =	swait.ge [sflag:s4], $0x0  }
0x19: {  	s7 =	sld [smem:$0x3F99]  }
0x1a: {  	s8 =	sadd.s32 $0xFFFFE003, lr  }
0x1b: {  	s9 =	sadd.s32 $0xFFFFFEF7, lr;
	s5 =	simm.s32 $0xFFFFFFFF;
	p2 =	slt.u32 s8, $0xFFFFF086  }
0x1c: {  	p1 =	slt.u32 s9, $0xF7A;
	s5 =	simm.s32 @!p2 $0x0  }
0x1d: {  	s5 =	simm.s32 @p1 $0x1;
	p0 =	seq.s32 s7, s2  }
0x1e: {  	s7 =	smul.u32 @!p0 $0xF7A, s2;
	p2 =	seq.s32 @!p0 s5, $0x0  }
0x1f: {  	s9 =	smul.u32 $0xF7A, s1;
	s8 =	simm.s32 @!p0 $0x1BF5;
	p2 =	por !p2, p0  }
0x20: {  	[sflag:s8] =	ssyncset.s32 @!p0 $0xFFFFF086;
	s6 =	sadd.s32 @!p0 s3, s7;
	s7 =	simm.s32 @!p0 $0x108  }
0x21: {  	s3 =	sadd.s32 s3, s9;
	s6 =	sadd.s32 @!p0 $0x88, s6;
	s7 =	simm.s32 @p2 $0x1082  }
0x22: {  	[simem:s7], [sflag:s8] =	dma.local @!p0 [hbm:s6], $0xF7A  }
0x23: {  	s9 =	sor.u32 $0xD0000000, s2;
	s6 =	simm.s32 $0x108;
	_ =	swait.ge @!p0 [sflag:s8], $0x0  }
0x24: {  	s3 =	sadd.s32 $0x88, s3;
	s6 =	simm.s32 @!p1 $0x1082;
	[sflag:s4] =	ssyncset.s32 $0xFFFFF086  }
0x25: {  	[simem:s6], [sflag:s4] =	dma.local [hbm:s3], $0xF7A  }
0x26: {  	[smem:$0x3F99] =	sst s1;
	(tag) =	ssettag s2;
	_ =	strace s9  }
0x27: {  	s1 =	sld [smem:$0x3FA9]  }
0x28: {  	s2 =	sld [smem:$0x3FAA]  }
0x29: {  	s4 =	sld [smem:$0x3FAC]  }
0x2a: {  	p0 =	seq.s32 s5, $0x0;
	s5 =	sld [smem:$0x3FAD]  }
0x2b: {  	s6 =	sld [smem:$0x3FAE]  }
0x2c: {  	s7 =	sld [smem:$0x3FAF]  }
0x2d: {  	s3 =	simm.s32 $0x108;
	s8 =	sld [smem:$0x3FB0]  }
0x2e: {  	s3 =	simm.s32 @!p0 $0x1082;
	s9 =	sld [smem:$0x3FB1]  }
0x2f: {  	lr =	sadd.s32 s0, s3;
	s0 =	sld [smem:$0x3FA8]  }
0x30: {  	s3 =	sld [smem:$0x3FAB]  }
0x31: {  	[smem:$0x3FB4] =	sst s10  }
0x32: {  	s10 =	sld [smem:$0x3FB2];
	_ =	sdelay $0x3  }
0x33: {  	p0 =	seq.s32 s10, $0x1;
	s10 =	sld [smem:$0x3FB4];
	_ =	sdelay $0x3  }
0x34: {  	[smem:$0x3FB4] =	sst s10  }
0x35: {  	s10 =	sld [smem:$0x3FB3];
	_ =	sdelay $0x3  }
0x36: {  	p1 =	seq.s32 s10, $0x1;
	s10 =	sld [smem:$0x3FB4];
	_ =	sdelay $0x3  }
0x37: {  	[smem:$0x3FB4] =	sst s10  }
0x38: {  	s10 =	sld [smem:$0x3FB5]  }
0x39: {  	_ = 	snop;
	(pc) =	sbr.ind lr, $3  }
0x3a: {  	_ = 	snop  }
0x3b: {  	_ = 	snop  }
0x3c: {  	p2 =	seq.s32 s10, $0x1;
	s10 =	sld [smem:$0x3FB4]  }
0x3d: {  	_ =	shalt  }
0x3e: {  	_ =	shalt  }
0x3f: {  	_ =	shalt  }
0x40: {  	_ =	shalt  }
0x41: {  	_ =	shalt  }
0x42: {  	_ =	shalt  }
0x43: {  	_ =	shalt  }
0x44: {  	_ =	shalt  }
0x45: {  	_ =	shalt  }
0x46: {  	_ =	shalt  }
0x47: {  	_ =	shalt  }
0x48: {  	_ =	shalt  }
0x49: {  	_ =	shalt  }
0x4a: {  	_ =	shalt  }
0x4b: {  	_ =	shalt  }
0x4c: {  	_ =	shalt  }
0x4d: {  	_ =	shalt  }
0x4e: {  	_ =	shalt  }
0x4f: {  	_ =	shalt  }
0x50: {  	_ =	shalt  }
0x51: {  	_ =	shalt  }
0x52: {  	_ =	shalt  }
0x53: {  	_ =	shalt  }
0x54: {  	_ =	shalt  }
0x55: {  	_ =	shalt  }
0x56: {  	_ =	shalt  }
0x57: {  	_ =	shalt  }
0x58: {  	_ =	shalt  }
0x59: {  	_ =	shalt  }
0x5a: {  	_ =	shalt  }
0x5b: {  	_ =	shalt  }
0x5c: {  	_ =	shalt  }
0x5d: {  	_ =	shalt  }
0x5e: {  	_ =	shalt  }
0x5f: {  	_ =	shalt  }
0x60: {  	_ =	shalt  }
0x61: {  	_ =	shalt  }
0x62: {  	_ =	shalt  }
0x63: {  	_ =	shalt  }
0x64: {  	_ =	shalt  }
0x65: {  	_ =	shalt  }
0x66: {  	_ =	shalt  }
0x67: {  	_ =	shalt  }
0x68: {  	_ =	shalt  }
0x69: {  	_ =	shalt  }
0x6a: {  	_ =	shalt  }
0x6b: {  	_ =	shalt  }
0x6c: {  	_ =	shalt  }
0x6d: {  	_ =	shalt  }
0x6e: {  	_ =	shalt  }
0x6f: {  	_ =	shalt  }
0x70: {  	_ =	shalt  }
0x71: {  	_ =	shalt  }
0x72: {  	_ =	shalt  }
0x73: {  	_ =	shalt  }
0x74: {  	_ =	shalt  }
0x75: {  	_ =	shalt  }
0x76: {  	_ =	shalt  }
0x77: {  	_ =	shalt  }
0x78: {  	_ =	shalt  }
0x79: {  	_ =	shalt  }
0x7a: {  	_ =	shalt  }
0x7b: {  	_ =	shalt  }
0x7c: {  	_ =	shalt  }
0x7d: {  	_ =	shalt  }
0x7e: {  	_ =	shalt  }
0x7f: {  	_ =	shalt  }
0x80: {  	_ =	shalt  }
0x81: {  	_ =	shalt  }
0x82: {  	_ =	shalt  }
0x83: {  	_ =	shalt  }
0x84: {  	_ =	shalt  }
0x85: {  	_ =	shalt  }
0x86: {  	_ =	shalt  }
0x87: {  	_ =	shalt  }
.Lfunc_end0:
.L_simem_size_0:
called_computation_lowered:
.L_overlay_start_0:
0x88: {  	s2 =	sld [smem:$0x3FD9]  }
0x89: {  	s3 =	sld [smem:$0x3FFE];
	_ =	sdelay $0x1  }
0x8a: {  	s1 =	srdreg.scid  }
0x8b: {  	s0 =	sand.u32 $0x1, s1  }
0x8c: {  	s14 =	sshll.u32 s0, $0xA;
	s2 =	sadd.s32 s3, s2  }
0x8d: {  	s2 =	sadd.s32 s2, s14  }
0x8e: {  	[smem:$0x3FC0] =	sst s2  }
0x8f: {  	_ = 	snop  }
0x90: {  	s2 =	sld [smem:$0x3FD0];
	_ =	sdelay $0x2  }
0x91: {  	s4 =	simm.s32 $0xA;
	s5 =	simm.s32 $0x10;
	s15 =	sld [smem:$0x3FC2]  }
0x92: {  	[smem:s5], [sflag:s4] =	dma.local [hbm:s2], $0x1  }
0x93: {  	_ =	swait.eq [sflag:s4], $0x1  }
0x94: {  	[sflag:s4] =	ssyncset.done $0x0  }
0x95: {  	s16 =	sld [smem:$0x10];
	[sflag:s4] =	ssyncadd.s32 $0xFFFFFFFF  }
0x96: {  	s17 =	sld [smem:$0x12];
	(tm) =	ssettm $0x1  }
0x97: {  	s18 =	sld [smem:$0x3FFB];
	_ =	sdelay $0x3  }
0x98: {  	_ =	strace s18  }
0x99: {  	s5 =	sld [smem:$0x3FFC];
	_ =	sdelay $0x3  }
0x9a: {  	_ =	strace s5  }
0x9b: {  	s5 =	sld [smem:$0x3FFD];
	_ =	sdelay $0x3  }
0x9c: {  	_ =	strace s5  }
0x9d: {  	_ =	strace $0x8FFFFFFF  }
0x9e: {  	s19 =	sld [smem:$0x3FDB];
	_ =	sdelay $0x1  }
0x9f: {  	s6 =	simm.s32 $_scs_section_size  }
0xa0: {  	s7 =	simm.s32 $_size__tile_overlayer_lowered;
	s8 =	simm.s32 $_tile_overlayer_lowered  }
0xa1: {  	s22 =	simm.s32 $0x1BFF;
	s21 =	sshll.u32 s8, $0x1;
	s5 =	sadd.s32 s6, s19  }
0xa2: {  	s9 =	simm.s32 $0x0;
	s20 =	sshll.u32 s7, $0x1;
	s7 =	sadd.s32 s21, s5  }
0xa3: {  	[timem:s9], [sflag:s22] =	dma.local [hbm:s7], s20  }
0xa4: {  	_ =	swait.ge [sflag:s22], s20  }
0xa5: {  	s6 =	ssub.s32 $0x0, s20;
	[sflag:s22] =	ssyncset.done $0x0  }
0xa6: {  	[sflag:s22] =	ssyncadd.s32 s6;
	_ =	sdelay $0x1  }
0xa7: {  	s23 =	simm.s32 $0x1B8B  }
0xa8: {  	_ =	swait.ge [sflag:s23], $0x1  }
0xa9: {  	[sflag:s23] =	ssyncset.done $0x0  }
0xaa: {  	s25 =	simm.s32 $0x1B8E;
	s24 =	sld [smem:$0x3FFE];
	[sflag:s23] =	ssyncadd.s32 $0xFFFFFFFF  }
0xab: {  	s26 =	simm.s32 $execute0_lowered;
	[smem:$0x3FD2] =	sst s25  }
0xac: {  	s7 =	sshll.u32 s26, $0x1;
	_ =	strace $0x80000046;
	[dreg:$0x1] =	wrdreg $0xFFFFFFFF  }
0xad: {  	s28 =	simm.s32 $_size_execute0_lowered;
	s5 =	sadd.s32 s5, s7;
	[dreg:$0x0] =	wrdreg $0x0  }
0xae: {  	s7 =	sshll.u32 s28, $0x1;
	[dreg:$0x2] =	wrdreg s5  }
0xaf: {  	[dreg:$0x3] =	wrdreg s7  }
0xb0: {  	[dreg:$0x4] =	wrdreg $0xC0  }
0xb1: {  	_ =	task [dreg:s9], $0x5FFFF  }
0xb2: {  	[dreg:$0x1] =	wrdreg $0xFFFFFFFF  }
0xb3: {  	[dreg:$0x0] =	wrdreg $0x60  }
0xb4: {  	[dreg:$0x2] =	wrdreg s24  }
0xb5: {  	[dreg:$0x3] =	wrdreg s16  }
0xb6: {  	[dreg:$0x4] =	wrdreg s15  }
0xb7: {  	[dreg:$0x5] =	wrdreg s17  }
0xb8: {  	[dreg:$0x6] =	wrdreg $0x9  }
0xb9: {  	_ =	task.clear_ibuf [dreg:s9], $0x7FFFF;
	_ =	strace $0x90000046  }
0xba: {  	s29 =	simm.s32 $0x9;
	_ =	strace $0x80000048  }
0xbb: {  	_ =	swait.ge [sflag:s29], $0x1  }
0xbc: {  	[sflag:s29] =	ssyncadd.s32 $0xFFFFFFFF  }
0xbd: {  	_ =	strace $0x90000048  }
0xbe: {  	_ =	sfence  }
0xbf: {  	s30 =	sld [smem:$0x0];
	_ =	sdelay $0x2  }
0xc0: {  	s31 =	sshll.u32 s1, $0xD;
	s1 =	sshrl.u32 s1, $0x2  }
0xc1: {  	s3 =	sand.u32 $0x4000, s31;
	s1 =	sadd.s32 s1, s30  }
0xc2: {  	s0 =	sor.u32 s3, s0;
	s1 =	sshll.u32 s1, $0x11  }
0xc3: {  	s0 =	sor.u32 s1, s0  }
0xc4: {  	s0 =	sadd.s32 $0x8F2B, s0  }
0xc5: {  	[sflag:s0] =	ssyncadd.remote.s32 $0x1  }
0xc6: {  	_ =	sfence.sel $0xFFFF  }
0xc7: {  	[dreg:$0x0] =	wrdreg $0xFFFFFFFF;
	(pc) =	sbr.abs _section_cstart, $3  }
0xc8: {  	[dreg:$0x1] =	wrdreg $0xFFFFFFFF  }
0xc9: {  	_ =	task.clear_ibuf [dreg:s9], $0x2FFFF;
	_ =	strace $0x9FFFFFFF  }
0xca: {  	(tm) =	ssettm $0x7FFFFFFF  }
0xcb: {  	_ =	shalt  }
tec
execute0_lowered:
.L_overlay_start_1:
0x0: {  	(tag) =	ssettag $0x1  }
0x1: {  	s6 =	rddreg [dreg:$0x0]  }
0x2: {  	s12 =	rddreg [dreg:$0x1]  }
0x3: {  	s1 =	rddreg [dreg:$0x2]  }
0x4: {  	s2 =	rddreg [dreg:$0x3]  }
0x5: {  	s0 =	rddreg [dreg:$0x4]  }
0x6: {  	s4 =	simm.s32 $0x0;
	s5 =	srdreg.scid;
	s3 =	stileid.u32  }
0x7: {  	[smem:$0x7FF] =	sst s4;
	s14 =	sand.u32 $0x1, s5;
	s7 =	sshll.u32 s3, $0x8  }
0x8: {  	s5 =	sadd.s32 $0x188000, s6;
	p1 =	slt.u32 s3, $0x8;
	s9 =	smul.u32 $0xFA0, s3  }
0x9: {  	s10 =	smul.u32 $0x1F4, s3;
	s15 =	sshll.u32 s3, $0x1;
	_ =	strace $0x80000047  }
0xa: {  	s8 =	ssub.s32 $0x2, s14;
	s7 =	sadd.s32 s7, s6;
	p0 =	seq.s32 s14, $0x1  }
0xb: {  	s6 =	sadd.s32 s12, s3;
	s12 =	sadd.s32 s12, s15;
	p2 =	seq.s32 s14, $0x0  }
0xc: {  	s14 =	simm.s32 $0xA00;
	s15 =	simm.s32 $0x2;
	s31 =	sshrl.u32 s8, $0x1  }
.Ltmp0:
0xd: {  	p0 =	por !p1, !p0;
	s9 =	sshrl.u32 s9, $0x3;
	(pc) =	sbr.rel .LBB2_1-.Ltmp0, $4  }
0xe: {  	s7 =	sadd.s32 $0x1600, s7;
	p1 =	slt.u32 s3, $0x9;
	s13 =	ssub.s32 s8, s31  }
0xf: {  	p0 =	por !p0, !p0;
	s8 =	sadd.s32 s1, s10;
	s11 =	sadd.s32 $0x1F40, s9  }
0x10: {  	s9 =	sadd.s32 s2, s10;
	p3 =	sgt.u32 @p1 s3, $0x3;
	s10 =	sadd.s32 s1, s11  }
0x11: {  	s11 =	sadd.s32 s2, s11;
	s13 =	smax.u32 s13, $0x1;
	vm0 =	vmmov @p0 $0xffff;
	p3 =	por p3, !p1  }
.LBB2_3:
0x12: {  	[tilespmem:s14], [sflag:$0x2] =	stream.linear.gather [hbm4b:s8+s4], $0xFA0, $0x38;
	[tilespmem:$0x1A00] =	vst v63  }
0x13: {  	_ =	swait.ge [sflag:s15], $0xFA0  }
0x14: {  	[sflag:s15] =	ssyncset.done $0x0  }
0x15: {  	[sflag:s15] =	ssyncadd.s32 $0xFFFFF060  }
0x16: {  	[hbm4b:s9+s4] =	stream.linear.scatter [tilespmem:s14], [sflag:$0x2], $0xFA0, $0x38;
	[tilespmem:$0x1A00] =	vst v63  }
0x17: {  	_ =	swait.ge [sflag:s15], $0xFA0  }
0x18: {  	s16 =	simm.s32 @p1 $0x0;
	[sflag:s15] =	ssyncset.done $0x0  }
0x19: {  	s17 =	simm.s32 @p1 $0xA00;
	s18 =	simm.s32 @p1 $0x2;
	[sflag:s15] =	ssyncadd.s32 $0xFFFFF060  }
0x1a: {  	[tilespmem:s17], [sflag:$0x2] =	stream.linear.gather @p1 [hbm4b:s10+s16], $0xFA0, $0x38;
	[tilespmem:$0x1A00] =	vst v63  }
0x1b: {  	_ =	swait.ge @p1 [sflag:s18], $0xFA0  }
0x1c: {  	[sflag:s18] =	ssyncset.done @p1 $0x0  }
0x1d: {  	[sflag:s18] =	ssyncadd.s32 @p1 $0xFFFFF060  }
0x1e: {  	[hbm4b:s11+s16] =	stream.linear.scatter @p1 [tilespmem:s17], [sflag:$0x2], $0xFA0, $0x38;
	[tilespmem:$0x1A00] =	vst v63  }
0x1f: {  	_ =	swait.ge @p1 [sflag:s18], $0xFA0  }
0x20: {  	[sflag:s18] =	ssyncset.done @p1 $0x0  }
0x21: {  	[sflag:s18] =	ssyncadd.s32 @p1 $0xFFFFF060  }
0x22: {  	s16 =	simm.s32 @!p3 $0x0;
	s17 =	simm.s32 @!p3 $0x880;
	[bflag:$0x0] =	sbarrier.arrive @p1 $0xFFFF  }
0x23: {  	[tilespmem:s17], [sflag:$0x2] =	stream.linear.gather @!p3 [hbm4b:s12+s16], $0x10, $0x38;
	[tilespmem:$0x1A00] =	vst v63  }
0x24: {  	s16 =	simm.s32 @!p3 $0x2  }
0x25: {  	_ =	swait.ge @!p3 [sflag:s16], $0x10  }
0x26: {  	[sflag:s16] =	ssyncset.done @!p3 $0x0  }
0x27: {  	s18 =	simm.s32 @!p3 $0x900;
	[sflag:s16] =	ssyncadd.s32 @!p3 $0xFFFFFFF0;
	s16 =	simm.s32 @!p3 $0x10  }
0x28: {  	[tilespmem:s18], [sflag:$0x1] =	stream.indirect.gather @!p3 [hbm4b:s1+s16], $0x1, s17, s16, $0xb8;
	[tilespmem:$0x1A00] =	vst v63  }
0x29: {  	s18 =	simm.s32 @!p3 $0x1  }
0x2a: {  	_ =	swait.ge @!p3 [sflag:s18], $0x10  }
0x2b: {  	[sflag:s18] =	ssyncset.done @!p3 $0x0  }
0x2c: {  	[sflag:s18] =	ssyncadd.s32 @!p3 $0xFFFFFFF0  }
0x2d: {  	v0 =	vld @!p3 [tilespmem:$0x900];
	_ =	sdelay $0x4  }
0x2e: {  	v0 =	vmul.f32 @!p3 $1.009999990e+00, v0;
	_ =	sdelay $0x1  }
0x2f: {  	v0 =	vmin.f32 @!p3 v0, $1.000000000e+01  }
0x30: {  	s19 =	simm.s32 @!p3 $0x980;
	[tilespmem:$0x980] =	vst @!p3 v0  }
0x31: {  	[hbm4b:s2+s16] =	stream.indirect.scatter @!p3 [tilespmem:s19], [sflag:$0x1], $0x1, s17, s16, $0xb8;
	[tilespmem:$0x1A00] =	vst v63  }
0x32: {  	_ =	swait.ge @!p3 [sflag:s18], $0x10  }
0x33: {  	[sflag:s18] =	ssyncset.done @!p3 $0x0  }
0x34: {  	[sflag:s18] =	ssyncadd.s32 @!p3 $0xFFFFFFF0  }
0x35: {  	[bflag:$0x0] =	sbarrier.arrive @!p1 $0xFFFF  }
.LBB2_4:
0x36: {  	s13 =	sadd.s32 $0xFFFFFFFF, s13  }
0x37: {  	p4 =	sne.s32 s13, $0x0  }
.Ltmp1:
0x38: {  	_ = 	snop;
	(pc) =	sbr.rel @!p4 .LBB2_5-.Ltmp1, $1  }
0x39: {  	_ =	sdelay $0x3  }
.LBB2_1:
0x3a: {  	s16 =	simm.s32 @p0 $0x0;
	s17 =	simm.s32 @p0 $0x2  }
0x3b: {  	[tilespmem:s16], [sflag:$0x2] =	stream.linear.gather @p0 [hbm4b:s6+s16], $0x8, $0x38;
	[tilespmem:$0x1A00] =	vst v63  }
0x3c: {  	_ =	swait.ge @p0 [sflag:s17], $0x8  }
0x3d: {  	[sflag:s17] =	ssyncset.done @p0 $0x0  }
0x3e: {  	[sflag:s17] =	ssyncadd.s32 @p0 $0xFFFFFFF8  }
0x3f: {  	v0 =	vld.msk @p0 [tilespmem:$0x0], $0xff;
	_ =	sdelay $0x4  }
0x40: {  	v1 =	vshll.u32 @p0 v0, $0x1  }
0x41: {  	v2 =	vlaneseq.u32 @p0;
	v0 =	vand.u32 @p0 $0x7, v0;
	v1 =	vand.u32 @p0 $0xFFFFFFF0, v1  }
0x42: {  	v0 =	vor.u32 @p0 v0, v1;
	v1 =	vand.u32 @p0 $0x7, v2;
	v2 =	vshrl.u32 @p0 v2, $0x3  }
0x43: {  	v0 =	vperm.xlane @p0 v0, v1;
	v1 =	vmul.u32 @p0 $0x8, v2;
	_ =	sdelay $0x1  }
0x44: {  	v0 =	vadd.s32 @p0 v1, v0;
	_ =	sdelay $0x3  }
0x45: {  	s18 =	simm.s32 @p0 $0x80;
	s19 =	simm.s32 @p0 $0x1  }
0x46: {  	[tilespmem:s18], [sflag:$0x1] =	stream.indirect_vreg.gather @p0 [hbm4b:s5+s16], $0x80, v0, vm0, $0xb8;
	[tilespmem:$0x1A00] =	vst v63  }
0x47: {  	_ =	swait.ge @p0 [sflag:s19], $0x800  }
0x48: {  	[sflag:s19] =	ssyncset.done @p0 $0x0  }
.Ltmp2:
0x49: {  	[sflag:s19] =	ssyncadd.s32 @p0 $0xFFFFF800;
	(pc) =	sbr.rel @p2 .LBB2_3-.Ltmp2, $4  }
0x4a: {  	[hbm4b:s7+s16] =	stream.linear.scatter @p0 [tilespmem:s18], [sflag:$0x2], $0x800, $0x38;
	[tilespmem:$0x1A00] =	vst v63  }
0x4b: {  	_ =	swait.ge @p0 [sflag:s17], $0x800  }
0x4c: {  	[sflag:s17] =	ssyncset.done @p0 $0x0  }
0x4d: {  	[sflag:s17] =	ssyncadd.s32 @p0 $0xFFFFF800  }
.Ltmp3:
0x4e: {  	(pc) =	sbr.rel .LBB2_4-.Ltmp3, $2  }
0x4f: {  	_ =	sdelay $0x1  }
0x50: {  	[bflag:$0x0] =	sbarrier.arrive $0xFFFF;
	_ =	sdelay $0x1  }
.LBB2_5:
0x51: {  	_ =	sfence.sel $0x180000  }
0x52: {  	[bflag:$0x0] =	sbarrier.arrive $0xFFFF  }
0x53: {  	p0 =	sne.s32 s3, $0x0;
	_ =	strace $0x90000047  }
0x54: {  	s0 =	sadd.s32 @!p0 $0x100000, s0;
	[bflag:$0x2] =	sbarrier.arrive $0xFFFF  }
0x55: {  	[sflag:s0] =	ssyncadd.tile.s32 @!p0 $0x1;
	_ =	shalt  }
.Lfunc_end2:
_tile_overlayer_lowered:
.L_overlay_start_2:
0x56: {  	(tag) =	ssettag $0x2  }
0x57: {  	s0 =	rddreg [dreg:$0x0];
	s2 =	stileid.u32  }
0x58: {  	s1 =	rddreg [dreg:$0x1];
	p0 =	sne.s32 s2, $0x0  }
0x59: {  	s3 =	rddreg [dreg:$0x2];
	[bflag:$0x3] =	sbarrier.arrive $0xFFFF;
	s2 =	simm.s32 @!p0 $0x1C02  }
0x5a: {  	[timem:s3], [sflag:s2] =	dma.local @!p0 [hbm:s0], s1  }
0x5b: {  	s0 =	simm.s32 @!p0 $0x2  }
0x5c: {  	_ =	swait.ge @!p0 [sflag:s0], s1  }
0x5d: {  	s1 =	ssub.s32 @!p0 $0x0, s1;
	[sflag:s0] =	ssyncset.done @!p0 $0x0  }
0x5e: {  	[sflag:s0] =	ssyncadd.s32 @!p0 s1  }
0x5f: {  	[bflag:$0x3] =	sbarrier.arrive $0xFFFF  }
0x60: {  	_ =	shalt  }

</sc_bundles>
